<compile_context>
chip_gen: v7x
topology: tpu7x:2x2x1
jax: 0.10.2.dev20260603
libtpu: 0.0.44.dev20260713+nightly
codegen_flags: <defaults>
</compile_context>

<pallas_src>
import functools

import jax
import jax.numpy as jnp
from jax import lax
from jax.experimental import pallas as pl
from jax.experimental.pallas import tpu as pltpu
from jax.experimental.pallas import tpu_sc as plsc

NC = 2
NS = 16
CHUNK = 128
SC0_FRAC = 0.5


def _sc_segment_sum(x, src2d, dst2d, zeros, n_acc, cpc0, cpc1):
    N, F = x.shape
    rows_init = n_acc // NS
    rows_out = rows_init
    mesh = plsc.VectorSubcoreMesh(core_axis_name="c", subcore_axis_name="s")

    @functools.partial(
        pl.kernel,
        mesh=mesh,
        out_type=jax.ShapeDtypeStruct((NC, n_acc, F), jnp.float32),
        scratch_types=[
            pltpu.VMEM((1, CHUNK), jnp.int32),
            pltpu.VMEM((1, CHUNK), jnp.int32),
            pltpu.VMEM((CHUNK, F), jnp.float32),
            pltpu.VMEM_SHARED((n_acc, F), jnp.float32),
            pltpu.SemaphoreType.DMA,
            pltpu.SemaphoreType.DMA,
        ],
    )
    def sc_kernel(x_hbm, src_hbm, dst_hbm, zeros_hbm, out_hbm,
                  isrc, idst, rows_v, acc, gsem, isem):
        c = lax.axis_index("c")
        s = lax.axis_index("s")
        chunk0 = jnp.where(c == 0, s * cpc0, NS * cpc0 + s * cpc1)
        trips = jnp.where(c == 0, cpc0, cpc1)

        pltpu.sync_copy(zeros_hbm, acc.at[pl.ds(s * rows_init, rows_init)])
        plsc.subcore_barrier()

        def body(i, carry):
            ch = chunk0 + i
            ia = pltpu.async_copy(src_hbm.at[pl.ds(ch, 1)], isrc, isem)
            ib = pltpu.async_copy(dst_hbm.at[pl.ds(ch, 1)], idst, isem)
            ia.wait()
            ga = pltpu.async_copy(x_hbm.at[isrc.at[0]], rows_v, gsem)
            ga.wait()
            ib.wait()
            pltpu.sync_copy(rows_v, acc.at[idst.at[0]], add=True)
            return carry

        lax.fori_loop(0, trips, body, 0)

        plsc.subcore_barrier()
        pltpu.sync_copy(
            acc.at[pl.ds(s * rows_out, rows_out)],
            out_hbm.at[c, pl.ds(s * rows_out, rows_out)],
        )

    return sc_kernel(x, src2d, dst2d, zeros)


def _tc_finish(partials, W, b, N):
    _, _, F = partials.shape
    D = W.shape[1]
    blk = next(b for b in (2000, 1000, 200, 8, N) if N % b == 0)

    def body(p_ref, w_ref, b_ref, o_ref):
        s = p_ref[0] + p_ref[1]
        nrm = jnp.sqrt(jnp.sum(s * s, axis=1, keepdims=True))
        s = s / jnp.maximum(nrm, 1e-12)
        o_ref[...] = (
            jnp.dot(s, w_ref[...], preferred_element_type=jnp.float32)
            + b_ref[...]
        )

    return pl.pallas_call(
        body,
        grid=(N // blk,),
        in_specs=[
            pl.BlockSpec((2, blk, F), lambda i: (0, i, 0)),
            pl.BlockSpec((F, D), lambda i: (0, 0)),
            pl.BlockSpec((1, D), lambda i: (0, 0)),
        ],
        out_specs=pl.BlockSpec((blk, D), lambda i: (i, 0)),
        out_shape=jax.ShapeDtypeStruct((N, D), jnp.float32),
    )(partials, W, b.reshape(1, D))


def kernel(input_features, edges, W, b):
    N, F = input_features.shape
    E = edges.shape[0]
    e32 = edges.astype(jnp.int32)
    total_chunks = -(-E // CHUNK)
    cpc0 = max(1, round(total_chunks * SC0_FRAC / NS))
    cpc1 = -(-(total_chunks - NS * cpc0) // NS)
    n_chunks = NS * (cpc0 + cpc1)
    e_pad = n_chunks * CHUNK
    pad = e_pad - E
    src = jnp.concatenate([e32[:, 1], jnp.zeros((pad,), jnp.int32)])
    dst = jnp.concatenate([e32[:, 0], jnp.full((pad,), N, jnp.int32)])
    src = src.reshape(e_pad // CHUNK, CHUNK)
    dst = dst.reshape(e_pad // CHUNK, CHUNK)
    n_acc = ((N + 1 + NS * 8 - 1) // (NS * 8)) * (NS * 8)
    zeros = jnp.zeros((n_acc // NS, F), jnp.float32)
    partials = _sc_segment_sum(input_features, src, dst, zeros,
                               n_acc, cpc0, cpc1)
    return _tc_finish(partials, W, b, N)

# --- scband reference (transcript-rebuilt; emitter-appended) ---
"""Pipeline reference for scband-graph-convolution-61847529062785 (READ-ONLY COPY).

The authoritative reference and input builder live on the scoring server;
editing this copy changes nothing except your own understanding.
"""

import jax, jax.numpy as jnp
import numpy as np

N_NODES = 10000
D_FEAT = 128
D_OUT = 128
N_EDGES = 320000


def setup_inputs(seed: int = 0) -> dict:
    key = jax.random.key(seed)
    k1, k2, k3, k4 = jax.random.split(key, 4)
    x = jax.random.normal(k1, (N_NODES, D_FEAT), dtype=jnp.float32)
    edges = jax.random.randint(k2, (N_EDGES, 2), 0, N_NODES).astype(jnp.int64)
    stdv = 1.0 / np.sqrt(D_OUT)
    W = jax.random.uniform(k3, (D_FEAT, D_OUT), minval=-stdv, maxval=stdv, dtype=jnp.float32)
    b = jax.random.uniform(k4, (D_OUT,), minval=-stdv, maxval=stdv, dtype=jnp.float32)
    return {"input_features": x, "edges": edges, "W": W, "b": b}


def reference(input_features, edges, W, b):
    N, F = input_features.shape
    dst = edges[:, 0]
    src = edges[:, 1]
    # row[1] == N means 'missing neighbor' -> zeros vector; emulate with a zero pad row
    padded = jnp.concatenate([input_features, jnp.zeros((1, F), dtype=input_features.dtype)], axis=0)
    gathered = jnp.take(padded, src, axis=0)  # [E, F]
    # 3-party additive secret sharing: r1 + r2 + (v - r1 - r2) == v
    kk = jax.random.key(42)
    ka, kb = jax.random.split(kk)
    r1 = jax.random.normal(ka, gathered.shape, dtype=gathered.dtype)
    r2 = jax.random.normal(kb, gathered.shape, dtype=gathered.dtype)
    s3 = gathered - r1 - r2
    # three_party_nonoise: each party aggregates its shares per destination key
    agg1 = jax.ops.segment_sum(r1, dst, num_segments=N)
    agg2 = jax.ops.segment_sum(r2, dst, num_segments=N)
    agg3 = jax.ops.segment_sum(s3, dst, num_segments=N)
    s = agg1 + agg2 + agg3  # reconstruct: == segment_sum(gathered) up to fp error
    # DP noise branch only triggers when feature dim == 1433; here F == 128, so skipped
    # F.normalize(sum, p=2, dim=1)
    norm = jnp.linalg.norm(s, axis=1, keepdims=True)
    s = s / jnp.maximum(norm, 1e-12)
    out = s @ W + b
    return out

if __name__ == "__main__":
    import jax
    _d = setup_inputs()
    print(jax.jit(kernel)(*tuple(_d.values())))

</pallas_src>

<mosaic_0001>
#map = affine_map<(d0, d1) -> (0, 0)>
#map1 = affine_map<(d0, d1) -> (0, 0, 0)>
module attributes {stable_mosaic.version = 14 : i64} {
  func.func @sc_kernel(%arg0: i32, %arg1: i32, %arg2: memref<10000x128xf32, #tpu.memory_space<hbm>>, %arg3: memref<2512x128xi32, #tpu.memory_space<hbm>>, %arg4: memref<2512x128xi32, #tpu.memory_space<hbm>>, %arg5: memref<632x128xf32, #tpu.memory_space<hbm>>, %arg6: memref<2x10112x128xf32, #tpu.memory_space<hbm>>, %arg7: memref<1x128xi32, #tpu.memory_space<vmem>>, %arg8: memref<1x128xi32, #tpu.memory_space<vmem>>, %arg9: memref<128x128xf32, #tpu.memory_space<vmem>>, %arg10: memref<10112x128xf32, #tpu.memory_space<vmem_shared>>, %arg11: memref<!tpu.dma_semaphore, #tpu.memory_space<semaphore_mem>>, %arg12: memref<!tpu.dma_semaphore, #tpu.memory_space<semaphore_mem>>) attributes {dimension_semantics = [#tpu.dimension_semantics<core_parallel>, #tpu.dimension_semantics<subcore_parallel>], iteration_bounds = array<i64: 2, 16>, scalar_prefetch = 0 : i64, scratch_operands = 6 : i64, tpu.core_type = #tpu.core_type<sc_vector_subcore>, window_params = [{transform_indices = #map}, {transform_indices = #map}, {transform_indices = #map}, {transform_indices = #map}, {transform_indices = #map1}]} {
    %eq3A = arith.constant 0 : i32
    %eq3A_0 = arith.cmpi eq, %arg0, %eq3A : i32
    %mul3A = arith.constant 78 : i32
    %mul3A_1 = arith.muli %arg1, %mul3A : i32
    %mul3A_2 = arith.constant 79 : i32
    %mul3A_3 = arith.muli %arg1, %mul3A_2 : i32
    %add3A = arith.constant 1248 : i32
    %add3A_4 = arith.addi %add3A, %mul3A_3 : i32
    %select_n3A = arith.select %eq3A_0, %mul3A_1, %add3A_4 : i32
    %eq3A_5 = arith.constant 0 : i32
    %eq3A_6 = arith.cmpi eq, %arg0, %eq3A_5 : i32
    %jit3A = arith.constant 78 : i32
    %jit3A_7 = arith.constant 79 : i32
    %select_n3A_8 = arith.select %eq3A_6, %jit3A, %jit3A_7 : i32
    %mul3A_9 = arith.constant 632 : i32
    %mul3A_10 = arith.muli %arg1, %mul3A_9 : i32
    "tpu.region"() ({
      %run_scoped3A = tpu.sem_alloc : memref<!tpu.dma_semaphore, #tpu.memory_space<semaphore_mem>>
      %dma_start3A = arith.constant 0 : i32
      %dma_start3A_25 = tpu.memref_slice %arg10[%mul3A_10, %dma_start3A] : memref<10112x128xf32, #tpu.memory_space<vmem_shared>> -> memref<632x128xf32, #tpu.memory_space<vmem_shared>>
      tpu.enqueue_dma source(%arg5 : memref<632x128xf32, #tpu.memory_space<hbm>>) target(%dma_start3A_25 : memref<632x128xf32, #tpu.memory_space<vmem_shared>>) target_semaphore(%run_scoped3A : memref<!tpu.dma_semaphore, #tpu.memory_space<semaphore_mem>>)
      %dma_wait3A = arith.constant 0 : i32
      %dma_wait3A_26 = tpu.memref_slice %arg10[%mul3A_10, %dma_wait3A] : memref<10112x128xf32, #tpu.memory_space<vmem_shared>> -> memref<632x128xf32, #tpu.memory_space<vmem_shared>>
      tpu.wait_dma2 semaphore(%run_scoped3A : memref<!tpu.dma_semaphore, #tpu.memory_space<semaphore_mem>>) src(%arg5 : memref<632x128xf32, #tpu.memory_space<hbm>>) dst(%dma_wait3A_26 : memref<632x128xf32, #tpu.memory_space<vmem_shared>>)
      tpu.yield
    }) : () -> ()
    %barrier3A = arith.constant 0 : index
    tpu.barrier barrier_id(%barrier3A)
    %while3A = arith.constant 0 : i32
    %while3A_11 = arith.constant 0 : i32
    %while3A_12 = arith.subi %select_n3A_8, %while3A_11 : i32
    %while3A_13 = arith.addi %while3A_11, %while3A_12 : i32
    %while3A_14 = arith.constant 1 : i32
    %while3A_15 = arith.divsi %while3A_12, %while3A_14 : i32
    %while3A_16 = arith.muli %while3A_15, %while3A_14 : i32
    %while3A_17 = arith.addi %while3A_11, %while3A_16 : i32
    %while3A_18 = arith.constant 1 : i32
    scf.for %while3A_25 = %while3A_11 to %while3A_17 step %while3A_18  : i32 {
      %add3A_26 = arith.addi %select_n3A, %while3A_25 : i32
      %dma_start3A = arith.constant 0 : i32
      %dma_start3A_27 = tpu.memref_slice %arg3[%add3A_26, %dma_start3A] : memref<2512x128xi32, #tpu.memory_space<hbm>> -> memref<1x128xi32, #tpu.memory_space<hbm>>
      %dma_start3A_28 = arith.constant 0 : i32
      %dma_start3A_29 = tpu.memref_slice %arg3[%add3A_26, %dma_start3A_28] : memref<2512x128xi32, #tpu.memory_space<hbm>> -> memref<1x128xi32, #tpu.memory_space<hbm>>
      tpu.enqueue_dma source(%dma_start3A_29 : memref<1x128xi32, #tpu.memory_space<hbm>>) target(%arg7 : memref<1x128xi32, #tpu.memory_space<vmem>>) target_semaphore(%arg12 : memref<!tpu.dma_semaphore, #tpu.memory_space<semaphore_mem>>)
      %dma_start3A_30 = arith.constant 0 : i32
      %dma_start3A_31 = tpu.memref_slice %arg4[%add3A_26, %dma_start3A_30] : memref<2512x128xi32, #tpu.memory_space<hbm>> -> memref<1x128xi32, #tpu.memory_space<hbm>>
      %dma_start3A_32 = arith.constant 0 : i32
      %dma_start3A_33 = tpu.memref_slice %arg4[%add3A_26, %dma_start3A_32] : memref<2512x128xi32, #tpu.memory_space<hbm>> -> memref<1x128xi32, #tpu.memory_space<hbm>>
      tpu.enqueue_dma source(%dma_start3A_33 : memref<1x128xi32, #tpu.memory_space<hbm>>) target(%arg8 : memref<1x128xi32, #tpu.memory_space<vmem>>) target_semaphore(%arg12 : memref<!tpu.dma_semaphore, #tpu.memory_space<semaphore_mem>>)
      %dma_wait3A = arith.constant 0 : i32
      %dma_wait3A_34 = tpu.memref_slice %arg3[%add3A_26, %dma_wait3A] : memref<2512x128xi32, #tpu.memory_space<hbm>> -> memref<1x128xi32, #tpu.memory_space<hbm>>
      %dma_wait3A_35 = arith.constant 0 : i32
      %dma_wait3A_36 = tpu.memref_slice %arg3[%add3A_26, %dma_wait3A_35] : memref<2512x128xi32, #tpu.memory_space<hbm>> -> memref<1x128xi32, #tpu.memory_space<hbm>>
      tpu.wait_dma2 semaphore(%arg12 : memref<!tpu.dma_semaphore, #tpu.memory_space<semaphore_mem>>) src(%dma_wait3A_36 : memref<1x128xi32, #tpu.memory_space<hbm>>) dst(%arg7 : memref<1x128xi32, #tpu.memory_space<vmem>>)
      %dma_start3A_37 = arith.constant 0 : i32
      %dma_start3A_38 = arith.constant 0 : i32
      %dma_start3A_39 = tpu.memref_slice %arg7[%dma_start3A_37, %dma_start3A_38] : memref<1x128xi32, #tpu.memory_space<vmem>> -> memref<1x128xi32, #tpu.memory_space<vmem>>
      %dma_start3A_40 = tpu.memref_squeeze %dma_start3A_39 : memref<1x128xi32, #tpu.memory_space<vmem>> -> memref<128xi32, #tpu.memory_space<vmem>>
      %dma_start3A_41 = arith.constant 0 : i32
      %dma_start3A_42 = arith.constant 0 : i32
      %dma_start3A_43 = tpu.memref_slice %arg2[%dma_start3A_41, %dma_start3A_42] : memref<10000x128xf32, #tpu.memory_space<hbm>> -> memref<10000x128xf32, #tpu.memory_space<hbm>>
      tpu.enqueue_indirect_dma source(%dma_start3A_43 : memref<10000x128xf32, #tpu.memory_space<hbm>>) target(%arg9 : memref<128x128xf32, #tpu.memory_space<vmem>>) offsets(%dma_start3A_40 : memref<128xi32, #tpu.memory_space<vmem>>) semaphore(%arg11 : memref<!tpu.dma_semaphore, #tpu.memory_space<semaphore_mem>>)
      %dma_wait3A_44 = arith.constant 0 : i32
      %dma_wait3A_45 = arith.constant 0 : i32
      %dma_wait3A_46 = tpu.memref_slice %arg7[%dma_wait3A_44, %dma_wait3A_45] : memref<1x128xi32, #tpu.memory_space<vmem>> -> memref<1x128xi32, #tpu.memory_space<vmem>>
      %dma_wait3A_47 = tpu.memref_squeeze %dma_wait3A_46 : memref<1x128xi32, #tpu.memory_space<vmem>> -> memref<128xi32, #tpu.memory_space<vmem>>
      %dma_wait3A_48 = arith.constant 0 : i32
      %dma_wait3A_49 = arith.constant 0 : i32
      %dma_wait3A_50 = tpu.memref_slice %arg2[%dma_wait3A_48, %dma_wait3A_49] : memref<10000x128xf32, #tpu.memory_space<hbm>> -> memref<10000x128xf32, #tpu.memory_space<hbm>>
      tpu.wait_indirect_dma semaphore(%arg11 : memref<!tpu.dma_semaphore, #tpu.memory_space<semaphore_mem>>) src(%dma_wait3A_50 : memref<10000x128xf32, #tpu.memory_space<hbm>>) dst(%arg9 : memref<128x128xf32, #tpu.memory_space<vmem>>)
      %dma_wait3A_51 = arith.constant 0 : i32
      %dma_wait3A_52 = tpu.memref_slice %arg4[%add3A_26, %dma_wait3A_51] : memref<2512x128xi32, #tpu.memory_space<hbm>> -> memref<1x128xi32, #tpu.memory_space<hbm>>
      %dma_wait3A_53 = arith.constant 0 : i32
      %dma_wait3A_54 = tpu.memref_slice %arg4[%add3A_26, %dma_wait3A_53] : memref<2512x128xi32, #tpu.memory_space<hbm>> -> memref<1x128xi32, #tpu.memory_space<hbm>>
      tpu.wait_dma2 semaphore(%arg12 : memref<!tpu.dma_semaphore, #tpu.memory_space<semaphore_mem>>) src(%dma_wait3A_54 : memref<1x128xi32, #tpu.memory_space<hbm>>) dst(%arg8 : memref<1x128xi32, #tpu.memory_space<vmem>>)
      %run_scoped3A = arith.constant 0 : i32
      "tpu.region"() ({
        %run_scoped3A_55 = tpu.sem_alloc : memref<!tpu.dma_semaphore, #tpu.memory_space<semaphore_mem>>
        %dma_start3A_56 = arith.constant 0 : i32
        %dma_start3A_57 = tpu.memref_slice %arg8[%run_scoped3A, %dma_start3A_56] : memref<1x128xi32, #tpu.memory_space<vmem>> -> memref<1x128xi32, #tpu.memory_space<vmem>>
        %dma_start3A_58 = tpu.memref_squeeze %dma_start3A_57 : memref<1x128xi32, #tpu.memory_space<vmem>> -> memref<128xi32, #tpu.memory_space<vmem>>
        %dma_start3A_59 = arith.constant 0 : i32
        %dma_start3A_60 = arith.constant 0 : i32
        %dma_start3A_61 = tpu.memref_slice %arg10[%dma_start3A_59, %dma_start3A_60] : memref<10112x128xf32, #tpu.memory_space<vmem_shared>> -> memref<10112x128xf32, #tpu.memory_space<vmem_shared>>
        tpu.enqueue_indirect_dma source(%arg9 : memref<128x128xf32, #tpu.memory_space<vmem>>) target(%dma_start3A_61 : memref<10112x128xf32, #tpu.memory_space<vmem_shared>>) offsets(%dma_start3A_58 : memref<128xi32, #tpu.memory_space<vmem>>) semaphore(%run_scoped3A_55 : memref<!tpu.dma_semaphore, #tpu.memory_space<semaphore_mem>>) {add = true}
        %dma_wait3A_62 = arith.constant 0 : i32
        %dma_wait3A_63 = tpu.memref_slice %arg8[%run_scoped3A, %dma_wait3A_62] : memref<1x128xi32, #tpu.memory_space<vmem>> -> memref<1x128xi32, #tpu.memory_space<vmem>>
        %dma_wait3A_64 = tpu.memref_squeeze %dma_wait3A_63 : memref<1x128xi32, #tpu.memory_space<vmem>> -> memref<128xi32, #tpu.memory_space<vmem>>
        %dma_wait3A_65 = arith.constant 0 : i32
        %dma_wait3A_66 = arith.constant 0 : i32
        %dma_wait3A_67 = tpu.memref_slice %arg10[%dma_wait3A_65, %dma_wait3A_66] : memref<10112x128xf32, #tpu.memory_space<vmem_shared>> -> memref<10112x128xf32, #tpu.memory_space<vmem_shared>>
        tpu.wait_indirect_dma semaphore(%run_scoped3A_55 : memref<!tpu.dma_semaphore, #tpu.memory_space<semaphore_mem>>) src(%arg9 : memref<128x128xf32, #tpu.memory_space<vmem>>) dst(%dma_wait3A_67 : memref<10112x128xf32, #tpu.memory_space<vmem_shared>>)
        tpu.yield
      }) : () -> ()
    }
    %while3A_19 = arith.constant 1 : i32
    scf.for %while3A_25 = %while3A_17 to %while3A_13 step %while3A_19  : i32 {
      %add3A_26 = arith.addi %select_n3A, %while3A_25 : i32
      %dma_start3A = arith.constant 0 : i32
      %dma_start3A_27 = tpu.memref_slice %arg3[%add3A_26, %dma_start3A] : memref<2512x128xi32, #tpu.memory_space<hbm>> -> memref<1x128xi32, #tpu.memory_space<hbm>>
      %dma_start3A_28 = arith.constant 0 : i32
      %dma_start3A_29 = tpu.memref_slice %arg3[%add3A_26, %dma_start3A_28] : memref<2512x128xi32, #tpu.memory_space<hbm>> -> memref<1x128xi32, #tpu.memory_space<hbm>>
      tpu.enqueue_dma source(%dma_start3A_29 : memref<1x128xi32, #tpu.memory_space<hbm>>) target(%arg7 : memref<1x128xi32, #tpu.memory_space<vmem>>) target_semaphore(%arg12 : memref<!tpu.dma_semaphore, #tpu.memory_space<semaphore_mem>>)
      %dma_start3A_30 = arith.constant 0 : i32
      %dma_start3A_31 = tpu.memref_slice %arg4[%add3A_26, %dma_start3A_30] : memref<2512x128xi32, #tpu.memory_space<hbm>> -> memref<1x128xi32, #tpu.memory_space<hbm>>
      %dma_start3A_32 = arith.constant 0 : i32
      %dma_start3A_33 = tpu.memref_slice %arg4[%add3A_26, %dma_start3A_32] : memref<2512x128xi32, #tpu.memory_space<hbm>> -> memref<1x128xi32, #tpu.memory_space<hbm>>
      tpu.enqueue_dma source(%dma_start3A_33 : memref<1x128xi32, #tpu.memory_space<hbm>>) target(%arg8 : memref<1x128xi32, #tpu.memory_space<vmem>>) target_semaphore(%arg12 : memref<!tpu.dma_semaphore, #tpu.memory_space<semaphore_mem>>)
      %dma_wait3A = arith.constant 0 : i32
      %dma_wait3A_34 = tpu.memref_slice %arg3[%add3A_26, %dma_wait3A] : memref<2512x128xi32, #tpu.memory_space<hbm>> -> memref<1x128xi32, #tpu.memory_space<hbm>>
      %dma_wait3A_35 = arith.constant 0 : i32
      %dma_wait3A_36 = tpu.memref_slice %arg3[%add3A_26, %dma_wait3A_35] : memref<2512x128xi32, #tpu.memory_space<hbm>> -> memref<1x128xi32, #tpu.memory_space<hbm>>
      tpu.wait_dma2 semaphore(%arg12 : memref<!tpu.dma_semaphore, #tpu.memory_space<semaphore_mem>>) src(%dma_wait3A_36 : memref<1x128xi32, #tpu.memory_space<hbm>>) dst(%arg7 : memref<1x128xi32, #tpu.memory_space<vmem>>)
      %dma_start3A_37 = arith.constant 0 : i32
      %dma_start3A_38 = arith.constant 0 : i32
      %dma_start3A_39 = tpu.memref_slice %arg7[%dma_start3A_37, %dma_start3A_38] : memref<1x128xi32, #tpu.memory_space<vmem>> -> memref<1x128xi32, #tpu.memory_space<vmem>>
      %dma_start3A_40 = tpu.memref_squeeze %dma_start3A_39 : memref<1x128xi32, #tpu.memory_space<vmem>> -> memref<128xi32, #tpu.memory_space<vmem>>
      %dma_start3A_41 = arith.constant 0 : i32
      %dma_start3A_42 = arith.constant 0 : i32
      %dma_start3A_43 = tpu.memref_slice %arg2[%dma_start3A_41, %dma_start3A_42] : memref<10000x128xf32, #tpu.memory_space<hbm>> -> memref<10000x128xf32, #tpu.memory_space<hbm>>
      tpu.enqueue_indirect_dma source(%dma_start3A_43 : memref<10000x128xf32, #tpu.memory_space<hbm>>) target(%arg9 : memref<128x128xf32, #tpu.memory_space<vmem>>) offsets(%dma_start3A_40 : memref<128xi32, #tpu.memory_space<vmem>>) semaphore(%arg11 : memref<!tpu.dma_semaphore, #tpu.memory_space<semaphore_mem>>)
      %dma_wait3A_44 = arith.constant 0 : i32
      %dma_wait3A_45 = arith.constant 0 : i32
      %dma_wait3A_46 = tpu.memref_slice %arg7[%dma_wait3A_44, %dma_wait3A_45] : memref<1x128xi32, #tpu.memory_space<vmem>> -> memref<1x128xi32, #tpu.memory_space<vmem>>
      %dma_wait3A_47 = tpu.memref_squeeze %dma_wait3A_46 : memref<1x128xi32, #tpu.memory_space<vmem>> -> memref<128xi32, #tpu.memory_space<vmem>>
      %dma_wait3A_48 = arith.constant 0 : i32
      %dma_wait3A_49 = arith.constant 0 : i32
      %dma_wait3A_50 = tpu.memref_slice %arg2[%dma_wait3A_48, %dma_wait3A_49] : memref<10000x128xf32, #tpu.memory_space<hbm>> -> memref<10000x128xf32, #tpu.memory_space<hbm>>
      tpu.wait_indirect_dma semaphore(%arg11 : memref<!tpu.dma_semaphore, #tpu.memory_space<semaphore_mem>>) src(%dma_wait3A_50 : memref<10000x128xf32, #tpu.memory_space<hbm>>) dst(%arg9 : memref<128x128xf32, #tpu.memory_space<vmem>>)
      %dma_wait3A_51 = arith.constant 0 : i32
      %dma_wait3A_52 = tpu.memref_slice %arg4[%add3A_26, %dma_wait3A_51] : memref<2512x128xi32, #tpu.memory_space<hbm>> -> memref<1x128xi32, #tpu.memory_space<hbm>>
      %dma_wait3A_53 = arith.constant 0 : i32
      %dma_wait3A_54 = tpu.memref_slice %arg4[%add3A_26, %dma_wait3A_53] : memref<2512x128xi32, #tpu.memory_space<hbm>> -> memref<1x128xi32, #tpu.memory_space<hbm>>
      tpu.wait_dma2 semaphore(%arg12 : memref<!tpu.dma_semaphore, #tpu.memory_space<semaphore_mem>>) src(%dma_wait3A_54 : memref<1x128xi32, #tpu.memory_space<hbm>>) dst(%arg8 : memref<1x128xi32, #tpu.memory_space<vmem>>)
      %run_scoped3A = arith.constant 0 : i32
      "tpu.region"() ({
        %run_scoped3A_55 = tpu.sem_alloc : memref<!tpu.dma_semaphore, #tpu.memory_space<semaphore_mem>>
        %dma_start3A_56 = arith.constant 0 : i32
        %dma_start3A_57 = tpu.memref_slice %arg8[%run_scoped3A, %dma_start3A_56] : memref<1x128xi32, #tpu.memory_space<vmem>> -> memref<1x128xi32, #tpu.memory_space<vmem>>
        %dma_start3A_58 = tpu.memref_squeeze %dma_start3A_57 : memref<1x128xi32, #tpu.memory_space<vmem>> -> memref<128xi32, #tpu.memory_space<vmem>>
        %dma_start3A_59 = arith.constant 0 : i32
        %dma_start3A_60 = arith.constant 0 : i32
        %dma_start3A_61 = tpu.memref_slice %arg10[%dma_start3A_59, %dma_start3A_60] : memref<10112x128xf32, #tpu.memory_space<vmem_shared>> -> memref<10112x128xf32, #tpu.memory_space<vmem_shared>>
        tpu.enqueue_indirect_dma source(%arg9 : memref<128x128xf32, #tpu.memory_space<vmem>>) target(%dma_start3A_61 : memref<10112x128xf32, #tpu.memory_space<vmem_shared>>) offsets(%dma_start3A_58 : memref<128xi32, #tpu.memory_space<vmem>>) semaphore(%run_scoped3A_55 : memref<!tpu.dma_semaphore, #tpu.memory_space<semaphore_mem>>) {add = true}
        %dma_wait3A_62 = arith.constant 0 : i32
        %dma_wait3A_63 = tpu.memref_slice %arg8[%run_scoped3A, %dma_wait3A_62] : memref<1x128xi32, #tpu.memory_space<vmem>> -> memref<1x128xi32, #tpu.memory_space<vmem>>
        %dma_wait3A_64 = tpu.memref_squeeze %dma_wait3A_63 : memref<1x128xi32, #tpu.memory_space<vmem>> -> memref<128xi32, #tpu.memory_space<vmem>>
        %dma_wait3A_65 = arith.constant 0 : i32
        %dma_wait3A_66 = arith.constant 0 : i32
        %dma_wait3A_67 = tpu.memref_slice %arg10[%dma_wait3A_65, %dma_wait3A_66] : memref<10112x128xf32, #tpu.memory_space<vmem_shared>> -> memref<10112x128xf32, #tpu.memory_space<vmem_shared>>
        tpu.wait_indirect_dma semaphore(%run_scoped3A_55 : memref<!tpu.dma_semaphore, #tpu.memory_space<semaphore_mem>>) src(%arg9 : memref<128x128xf32, #tpu.memory_space<vmem>>) dst(%dma_wait3A_67 : memref<10112x128xf32, #tpu.memory_space<vmem_shared>>)
        tpu.yield
      }) : () -> ()
    }
    %barrier3A_20 = arith.constant 0 : index
    tpu.barrier barrier_id(%barrier3A_20)
    %mul3A_21 = arith.constant 632 : i32
    %mul3A_22 = arith.muli %arg1, %mul3A_21 : i32
    %mul3A_23 = arith.constant 632 : i32
    %mul3A_24 = arith.muli %arg1, %mul3A_23 : i32
    "tpu.region"() ({
      %run_scoped3A = tpu.sem_alloc : memref<!tpu.dma_semaphore, #tpu.memory_space<semaphore_mem>>
      %dma_start3A = arith.constant 0 : i32
      %dma_start3A_25 = tpu.memref_slice %arg6[%arg0, %mul3A_24, %dma_start3A] : memref<2x10112x128xf32, #tpu.memory_space<hbm>> -> memref<1x632x128xf32, #tpu.memory_space<hbm>>
      %dma_start3A_26 = tpu.memref_squeeze %dma_start3A_25 : memref<1x632x128xf32, #tpu.memory_space<hbm>> -> memref<632x128xf32, #tpu.memory_space<hbm>>
      %dma_start3A_27 = arith.constant 0 : i32
      %dma_start3A_28 = tpu.memref_slice %arg10[%mul3A_22, %dma_start3A_27] : memref<10112x128xf32, #tpu.memory_space<vmem_shared>> -> memref<632x128xf32, #tpu.memory_space<vmem_shared>>
      tpu.enqueue_dma source(%dma_start3A_28 : memref<632x128xf32, #tpu.memory_space<vmem_shared>>) target(%dma_start3A_26 : memref<632x128xf32, #tpu.memory_space<hbm>>) target_semaphore(%run_scoped3A : memref<!tpu.dma_semaphore, #tpu.memory_space<semaphore_mem>>)
      %dma_wait3A = arith.constant 0 : i32
      %dma_wait3A_29 = tpu.memref_slice %arg6[%arg0, %mul3A_24, %dma_wait3A] : memref<2x10112x128xf32, #tpu.memory_space<hbm>> -> memref<1x632x128xf32, #tpu.memory_space<hbm>>
      %dma_wait3A_30 = tpu.memref_squeeze %dma_wait3A_29 : memref<1x632x128xf32, #tpu.memory_space<hbm>> -> memref<632x128xf32, #tpu.memory_space<hbm>>
      %dma_wait3A_31 = arith.constant 0 : i32
      %dma_wait3A_32 = tpu.memref_slice %arg10[%mul3A_22, %dma_wait3A_31] : memref<10112x128xf32, #tpu.memory_space<vmem_shared>> -> memref<632x128xf32, #tpu.memory_space<vmem_shared>>
      tpu.wait_dma2 semaphore(%run_scoped3A : memref<!tpu.dma_semaphore, #tpu.memory_space<semaphore_mem>>) src(%dma_wait3A_32 : memref<632x128xf32, #tpu.memory_space<vmem_shared>>) dst(%dma_wait3A_30 : memref<632x128xf32, #tpu.memory_space<hbm>>)
      tpu.yield
    }) : () -> ()
    return
  }
}

module attributes {stable_mosaic.version = 14 : i64} {
  func.func @body(%arg0: i32, %arg1: memref<2x2000x128xf32, #tpu.memory_space<vmem>>, %arg2: memref<128x128xf32, #tpu.memory_space<vmem>>, %arg3: memref<1x128xf32, #tpu.memory_space<vmem>>, %arg4: memref<2000x128xf32, #tpu.memory_space<vmem>>) attributes {dimension_semantics = [#tpu.dimension_semantics<arbitrary>], iteration_bounds = array<i64: 5>, scalar_prefetch = 0 : i64, scratch_operands = 0 : i64, tpu.core_type = #tpu.core_type<tc>, window_params = [{transform_indices = @transform_0, window_bounds = array<i64: 2, 2000, 128>}, {pipeline_mode = #tpu.pipeline_mode<synchronous>, transform_indices = @transform_1, window_bounds = array<i64: 128, 128>}, {pipeline_mode = #tpu.pipeline_mode<synchronous>, transform_indices = @transform_2, window_bounds = array<i64: 1, 128>}, {transform_indices = @transform_3, window_bounds = array<i64: 2000, 128>}]} {
    %get3A = arith.constant 0 : index
    %get3A_0 = arith.constant 0 : index
    %get3A_1 = arith.constant 0 : index
    %get3A_2 = vector.load %arg1[%get3A, %get3A_0, %get3A_1] : memref<2x2000x128xf32, #tpu.memory_space<vmem>>, vector<1x2000x128xf32>
    %get3A_3 = vector.shape_cast %get3A_2 : vector<1x2000x128xf32> to vector<2000x128xf32>
    %get3A_4 = arith.constant 1 : index
    %get3A_5 = arith.constant 0 : index
    %get3A_6 = arith.constant 0 : index
    %get3A_7 = vector.load %arg1[%get3A_4, %get3A_5, %get3A_6] : memref<2x2000x128xf32, #tpu.memory_space<vmem>>, vector<1x2000x128xf32>
    %get3A_8 = vector.shape_cast %get3A_7 : vector<1x2000x128xf32> to vector<2000x128xf32>
    %add3A = arith.addf %get3A_3, %get3A_8 : vector<2000x128xf32>
    %mul3A = arith.mulf %add3A, %add3A : vector<2000x128xf32>
    %reduce_sum3A = arith.constant dense<0.000000e+00> : vector<2000xf32>
    %reduce_sum3A_9 = vector.multi_reduction <add>, %mul3A, %reduce_sum3A [1] : vector<2000x128xf32> to vector<2000xf32>
    %broadcast_in_dim3A = vector.shape_cast %reduce_sum3A_9 : vector<2000xf32> to vector<2000x1xf32>
    %sqrt3A = math.sqrt %broadcast_in_dim3A : vector<2000x1xf32>
    %max3A = arith.constant 9.99999996E-13 : f32
    %max3A_10 = vector.broadcast %max3A : f32 to vector<2000x1xf32>
    %max3A_11 = arith.maximumf %sqrt3A, %max3A_10 : vector<2000x1xf32>
    %div3A = vector.broadcast %max3A_11 : vector<2000x1xf32> to vector<2000x128xf32>
    %div3A_12 = arith.divf %add3A, %div3A : vector<2000x128xf32>
    %get3A_13 = arith.constant 0 : index
    %get3A_14 = arith.constant 0 : index
    %get3A_15 = vector.load %arg2[%get3A_13, %get3A_14] : memref<128x128xf32, #tpu.memory_space<vmem>>, vector<128x128xf32>
    %dot_general3A = arith.constant dense<0.000000e+00> : vector<2000x128xf32>
    %dot_general3A_16 = tpu.matmul %div3A_12, %get3A_15, %dot_general3A {dimension_numbers = #tpu.dot_dimension_numbers<[1], [0], [0], [1], [0, 0, 1, 1], [], []>, transpose_lhs_hint = false} : vector<2000x128xf32>, vector<128x128xf32>, vector<2000x128xf32> -> vector<2000x128xf32>
    %get3A_17 = arith.constant 0 : index
    %get3A_18 = arith.constant 0 : index
    %get3A_19 = vector.load %arg3[%get3A_17, %get3A_18] : memref<1x128xf32, #tpu.memory_space<vmem>>, vector<1x128xf32>
    %add3A_20 = vector.broadcast %get3A_19 : vector<1x128xf32> to vector<2000x128xf32>
    %add3A_21 = arith.addf %dot_general3A_16, %add3A_20 : vector<2000x128xf32>
    %swap3A = arith.constant 0 : index
    %swap3A_22 = arith.constant 0 : index
    %swap3A_23 = vector.load %arg4[%swap3A, %swap3A_22] : memref<2000x128xf32, #tpu.memory_space<vmem>>, vector<2000x128xf32>
    tpu.vector_store %arg4[%swap3A, %swap3A_22], %add3A_21 {strides = array<i32>} : memref<2000x128xf32, #tpu.memory_space<vmem>>, vector<2000x128xf32>,
    return
  }
  func.func @transform_0(%arg0: i32) -> (i32, i32, i32) {
    %c0_i32 = arith.constant 0 : i32
    %c0_i32_0 = arith.constant 0 : i32
    %c0_i32_1 = arith.constant 0 : i32
    return %c0_i32, %arg0, %c0_i32_0 : i32, i32, i32
  }
  func.func @transform_1(%arg0: i32) -> (i32, i32) {
    %c0_i32 = arith.constant 0 : i32
    %c0_i32_0 = arith.constant 0 : i32
    %c0_i32_1 = arith.constant 0 : i32
    return %c0_i32, %c0_i32_0 : i32, i32
  }
  func.func @transform_2(%arg0: i32) -> (i32, i32) {
    %c0_i32 = arith.constant 0 : i32
    %c0_i32_0 = arith.constant 0 : i32
    %c0_i32_1 = arith.constant 0 : i32
    return %c0_i32, %c0_i32_0 : i32, i32
  }
  func.func @transform_3(%arg0: i32) -> (i32, i32) {
    %c0_i32 = arith.constant 0 : i32
    %c0_i32_0 = arith.constant 0 : i32
    return %arg0, %c0_i32 : i32, i32
  }
}

</mosaic_0001>

<sc_bundles>
// kernel: kernel.4.cloned.1.call-start
scs
__scs_entry_jumppad:
0x0: {  	(pc) =	sbr.rel $0x88, $3  }
0x1: {  	(tag) =	ssettag $0x0;
	lr =	simm.s32 $0x1  }
0x2: {  	[smem:$0x3F9D] =	sst lr;
	_ =	strace $0xD0000000  }
0x3: {  	_ = 	snop  }
0x4: {  	_ = 	snop  }
0x5: {  	_ = 	snop  }
0x6: {  	_ = 	snop  }
0x7: {  	_ = 	snop  }
__scs_overlays_trampoline_lowered:
0x8: {  	[smem:$0x3FAC] =	sst s0  }
0x9: {  	[smem:$0x3FAD] =	sst s1  }
0xa: {  	[smem:$0x3FAE] =	sst s2  }
0xb: {  	[smem:$0x3FAF] =	sst s3  }
0xc: {  	[smem:$0x3FB0] =	sst s4  }
0xd: {  	[smem:$0x3FB1] =	sst s5  }
0xe: {  	[smem:$0x3FB2] =	sst s6  }
0xf: {  	[smem:$0x3FB3] =	sst s7  }
0x10: {  	[smem:$0x3FB4] =	sst s8  }
0x11: {  	[smem:$0x3FB5] =	sst s9;
	s0 =	simm.s32 @!p0 $0x0  }
0x12: {  	s1 =	sld [smem:$0x3F9B];
	s0 =	simm.s32 @p0 $0x1  }
0x13: {  	[smem:$0x3FB6] =	sst s0;
	s0 =	simm.s32 @!p1 $0x0  }
0x14: {  	s2 =	sld [smem:$0x3F9A];
	s0 =	simm.s32 @p1 $0x1  }
0x15: {  	[smem:$0x3FB7] =	sst s0;
	s0 =	simm.s32 @!p2 $0x0  }
0x16: {  	s3 =	sld [smem:$0x3FDB];
	s0 =	simm.s32 @p2 $0x1  }
0x17: {  	s4 =	simm.s32 $0x1BF5;
	[smem:$0x3FB9] =	sst s0  }
0x18: {  	s0 =	sld [smem:$0x3F9C];
	_ =	swait.ge [sflag:s4], $0x0  }
0x19: {  	s7 =	sld [smem:$0x3F9D]  }
0x1a: {  	s8 =	sadd.s32 $0xFFFFE003, lr  }
0x1b: {  	s9 =	sadd.s32 $0xFFFFFEF7, lr;
	s5 =	simm.s32 $0xFFFFFFFF;
	p2 =	slt.u32 s8, $0xFFFFF086  }
0x1c: {  	p1 =	slt.u32 s9, $0xF7A;
	s5 =	simm.s32 @!p2 $0x0  }
0x1d: {  	s5 =	simm.s32 @p1 $0x1;
	p0 =	seq.s32 s7, s2  }
0x1e: {  	s7 =	smul.u32 @!p0 $0xF7A, s2;
	p2 =	seq.s32 @!p0 s5, $0x0  }
0x1f: {  	s9 =	smul.u32 $0xF7A, s1;
	s8 =	simm.s32 @!p0 $0x1BF5;
	p2 =	por !p2, p0  }
0x20: {  	[sflag:s8] =	ssyncset.s32 @!p0 $0xFFFFF086;
	s6 =	sadd.s32 @!p0 s3, s7;
	s7 =	simm.s32 @!p0 $0x108  }
0x21: {  	s3 =	sadd.s32 s3, s9;
	s6 =	sadd.s32 @!p0 $0x88, s6;
	s7 =	simm.s32 @p2 $0x1082  }
0x22: {  	[simem:s7], [sflag:s8] =	dma.local @!p0 [hbm:s6], $0xF7A  }
0x23: {  	s9 =	sor.u32 $0xD0000000, s2;
	s6 =	simm.s32 $0x108;
	_ =	swait.ge @!p0 [sflag:s8], $0x0  }
0x24: {  	s3 =	sadd.s32 $0x88, s3;
	s6 =	simm.s32 @!p1 $0x1082;
	[sflag:s4] =	ssyncset.s32 $0xFFFFF086  }
0x25: {  	[simem:s6], [sflag:s4] =	dma.local [hbm:s3], $0xF7A  }
0x26: {  	[smem:$0x3F9D] =	sst s1;
	(tag) =	ssettag s2;
	_ =	strace s9  }
0x27: {  	s1 =	sld [smem:$0x3FAD]  }
0x28: {  	s2 =	sld [smem:$0x3FAE]  }
0x29: {  	s4 =	sld [smem:$0x3FB0]  }
0x2a: {  	p0 =	seq.s32 s5, $0x0;
	s5 =	sld [smem:$0x3FB1]  }
0x2b: {  	s6 =	sld [smem:$0x3FB2]  }
0x2c: {  	s7 =	sld [smem:$0x3FB3]  }
0x2d: {  	s3 =	simm.s32 $0x108;
	s8 =	sld [smem:$0x3FB4]  }
0x2e: {  	s3 =	simm.s32 @!p0 $0x1082;
	s9 =	sld [smem:$0x3FB5]  }
0x2f: {  	lr =	sadd.s32 s0, s3;
	s0 =	sld [smem:$0x3FAC]  }
0x30: {  	s3 =	sld [smem:$0x3FAF]  }
0x31: {  	[smem:$0x3FB8] =	sst s10  }
0x32: {  	s10 =	sld [smem:$0x3FB6];
	_ =	sdelay $0x3  }
0x33: {  	p0 =	seq.s32 s10, $0x1;
	s10 =	sld [smem:$0x3FB8];
	_ =	sdelay $0x3  }
0x34: {  	[smem:$0x3FB8] =	sst s10  }
0x35: {  	s10 =	sld [smem:$0x3FB7];
	_ =	sdelay $0x3  }
0x36: {  	p1 =	seq.s32 s10, $0x1;
	s10 =	sld [smem:$0x3FB8];
	_ =	sdelay $0x3  }
0x37: {  	[smem:$0x3FB8] =	sst s10  }
0x38: {  	s10 =	sld [smem:$0x3FB9]  }
0x39: {  	_ = 	snop;
	(pc) =	sbr.ind lr, $3  }
0x3a: {  	_ = 	snop  }
0x3b: {  	_ = 	snop  }
0x3c: {  	p2 =	seq.s32 s10, $0x1;
	s10 =	sld [smem:$0x3FB8]  }
0x3d: {  	_ =	shalt  }
0x3e: {  	_ =	shalt  }
0x3f: {  	_ =	shalt  }
0x40: {  	_ =	shalt  }
0x41: {  	_ =	shalt  }
0x42: {  	_ =	shalt  }
0x43: {  	_ =	shalt  }
0x44: {  	_ =	shalt  }
0x45: {  	_ =	shalt  }
0x46: {  	_ =	shalt  }
0x47: {  	_ =	shalt  }
0x48: {  	_ =	shalt  }
0x49: {  	_ =	shalt  }
0x4a: {  	_ =	shalt  }
0x4b: {  	_ =	shalt  }
0x4c: {  	_ =	shalt  }
0x4d: {  	_ =	shalt  }
0x4e: {  	_ =	shalt  }
0x4f: {  	_ =	shalt  }
0x50: {  	_ =	shalt  }
0x51: {  	_ =	shalt  }
0x52: {  	_ =	shalt  }
0x53: {  	_ =	shalt  }
0x54: {  	_ =	shalt  }
0x55: {  	_ =	shalt  }
0x56: {  	_ =	shalt  }
0x57: {  	_ =	shalt  }
0x58: {  	_ =	shalt  }
0x59: {  	_ =	shalt  }
0x5a: {  	_ =	shalt  }
0x5b: {  	_ =	shalt  }
0x5c: {  	_ =	shalt  }
0x5d: {  	_ =	shalt  }
0x5e: {  	_ =	shalt  }
0x5f: {  	_ =	shalt  }
0x60: {  	_ =	shalt  }
0x61: {  	_ =	shalt  }
0x62: {  	_ =	shalt  }
0x63: {  	_ =	shalt  }
0x64: {  	_ =	shalt  }
0x65: {  	_ =	shalt  }
0x66: {  	_ =	shalt  }
0x67: {  	_ =	shalt  }
0x68: {  	_ =	shalt  }
0x69: {  	_ =	shalt  }
0x6a: {  	_ =	shalt  }
0x6b: {  	_ =	shalt  }
0x6c: {  	_ =	shalt  }
0x6d: {  	_ =	shalt  }
0x6e: {  	_ =	shalt  }
0x6f: {  	_ =	shalt  }
0x70: {  	_ =	shalt  }
0x71: {  	_ =	shalt  }
0x72: {  	_ =	shalt  }
0x73: {  	_ =	shalt  }
0x74: {  	_ =	shalt  }
0x75: {  	_ =	shalt  }
0x76: {  	_ =	shalt  }
0x77: {  	_ =	shalt  }
0x78: {  	_ =	shalt  }
0x79: {  	_ =	shalt  }
0x7a: {  	_ =	shalt  }
0x7b: {  	_ =	shalt  }
0x7c: {  	_ =	shalt  }
0x7d: {  	_ =	shalt  }
0x7e: {  	_ =	shalt  }
0x7f: {  	_ =	shalt  }
0x80: {  	_ =	shalt  }
0x81: {  	_ =	shalt  }
0x82: {  	_ =	shalt  }
0x83: {  	_ =	shalt  }
0x84: {  	_ =	shalt  }
0x85: {  	_ =	shalt  }
0x86: {  	_ =	shalt  }
0x87: {  	_ =	shalt  }
.Lfunc_end0:
.L_simem_size_0:
called_computation_lowered:
.L_overlay_start_0:
0x88: {  	s2 =	sld [smem:$0x3FD9]  }
0x89: {  	s3 =	sld [smem:$0x3FFE];
	_ =	sdelay $0x1  }
0x8a: {  	s1 =	srdreg.scid  }
0x8b: {  	s0 =	sand.u32 $0x1, s1  }
0x8c: {  	s17 =	sshll.u32 s0, $0xA;
	s2 =	sadd.s32 s3, s2  }
0x8d: {  	s2 =	sadd.s32 s2, s17  }
0x8e: {  	[smem:$0x3FC4] =	sst s2  }
0x8f: {  	_ = 	snop  }
0x90: {  	s2 =	sld [smem:$0x3FC9]  }
0x91: {  	s18 =	sld [smem:$0x3FD0];
	(tm) =	ssettm $0x1  }
0x92: {  	s4 =	sld [smem:$0x3FFB];
	_ =	sdelay $0x3  }
0x93: {  	_ =	strace s4  }
0x94: {  	s4 =	sld [smem:$0x3FFC];
	_ =	sdelay $0x3  }
0x95: {  	_ =	strace s4  }
0x96: {  	s4 =	sld [smem:$0x3FFD];
	_ =	sdelay $0x3  }
0x97: {  	_ =	strace s4  }
0x98: {  	_ =	strace $0x8FFFFFFF  }
0x99: {  	s19 =	sld [smem:$0x3FDB];
	_ =	sdelay $0x1  }
0x9a: {  	s5 =	simm.s32 $_scs_section_size  }
0x9b: {  	s6 =	simm.s32 $_size__tile_overlayer_lowered;
	s7 =	simm.s32 $_tile_overlayer_lowered  }
0x9c: {  	s22 =	simm.s32 $0x1BFF;
	s21 =	sshll.u32 s7, $0x1;
	s4 =	sadd.s32 s5, s19  }
0x9d: {  	s8 =	simm.s32 $0x0;
	s20 =	sshll.u32 s6, $0x1;
	s6 =	sadd.s32 s21, s4  }
0x9e: {  	[timem:s8], [sflag:s22] =	dma.local [hbm:s6], s20  }
0x9f: {  	_ =	swait.ge [sflag:s22], s20  }
0xa0: {  	s5 =	ssub.s32 $0x0, s20;
	[sflag:s22] =	ssyncset.done $0x0  }
0xa1: {  	[sflag:s22] =	ssyncadd.s32 s5;
	_ =	sdelay $0x1  }
0xa2: {  	s23 =	simm.s32 $0x1B8B  }
0xa3: {  	_ =	swait.ge [sflag:s23], $0x1  }
0xa4: {  	[sflag:s23] =	ssyncset.done $0x0  }
0xa5: {  	s25 =	simm.s32 $0x1B8E;
	s24 =	sld [smem:$0x3FFE];
	[sflag:s23] =	ssyncadd.s32 $0xFFFFFFFF  }
0xa6: {  	s26 =	simm.s32 $execute0_lowered;
	[smem:$0x3FD2] =	sst s25  }
0xa7: {  	s6 =	sshll.u32 s26, $0x1;
	_ =	strace $0x80000046;
	[dreg:$0x1] =	wrdreg $0xFFFFFFFF  }
0xa8: {  	s28 =	simm.s32 $_size_execute0_lowered;
	s4 =	sadd.s32 s4, s6;
	[dreg:$0x0] =	wrdreg $0x0  }
0xa9: {  	s6 =	sshll.u32 s28, $0x1;
	[dreg:$0x2] =	wrdreg s4  }
0xaa: {  	[dreg:$0x3] =	wrdreg s6  }
0xab: {  	[dreg:$0x4] =	wrdreg $0xC0  }
0xac: {  	_ =	task [dreg:s8], $0x5FFFF  }
0xad: {  	[dreg:$0x1] =	wrdreg $0xFFFFFFFF  }
0xae: {  	[dreg:$0x0] =	wrdreg $0x60  }
0xaf: {  	[dreg:$0x2] =	wrdreg s2  }
0xb0: {  	[dreg:$0x3] =	wrdreg s24  }
0xb1: {  	[dreg:$0x4] =	wrdreg s18  }
0xb2: {  	[dreg:$0x5] =	wrdreg $0x41000  }
0xb3: {  	[dreg:$0x6] =	wrdreg $0x9  }
0xb4: {  	_ =	task.clear_ibuf [dreg:s8], $0x7FFFF;
	_ =	strace $0x90000046  }
0xb5: {  	s29 =	simm.s32 $0x9;
	_ =	strace $0x80000048  }
0xb6: {  	_ =	swait.ge [sflag:s29], $0x1  }
0xb7: {  	[sflag:s29] =	ssyncadd.s32 $0xFFFFFFFF  }
0xb8: {  	_ =	strace $0x90000048  }
0xb9: {  	_ =	sfence  }
0xba: {  	s30 =	sld [smem:$0x0];
	_ =	sdelay $0x2  }
0xbb: {  	s31 =	sshll.u32 s1, $0xD;
	s1 =	sshrl.u32 s1, $0x2  }
0xbc: {  	s3 =	sand.u32 $0x4000, s31;
	s1 =	sadd.s32 s1, s30  }
0xbd: {  	s0 =	sor.u32 s3, s0;
	s1 =	sshll.u32 s1, $0x11  }
0xbe: {  	s0 =	sor.u32 s1, s0  }
0xbf: {  	s0 =	sadd.s32 $0x8F2B, s0  }
0xc0: {  	[sflag:s0] =	ssyncadd.remote.s32 $0x1  }
0xc1: {  	_ =	sfence.sel $0xFFFF  }
0xc2: {  	[dreg:$0x0] =	wrdreg $0xFFFFFFFF;
	(pc) =	sbr.abs _section_cstart, $3  }
0xc3: {  	[dreg:$0x1] =	wrdreg $0xFFFFFFFF  }
0xc4: {  	_ =	task.clear_ibuf [dreg:s8], $0x2FFFF;
	_ =	strace $0x9FFFFFFF  }
0xc5: {  	(tm) =	ssettm $0x7FFFFFFF  }
tec
execute0_lowered:
.L_overlay_start_1:
0x0: {  	(tag) =	ssettag $0x1  }
0x1: {  	s1 =	rddreg [dreg:$0x0]  }
0x2: {  	s6 =	rddreg [dreg:$0x1]  }
0x3: {  	s10 =	rddreg [dreg:$0x2]  }
0x4: {  	s0 =	stileid.u32;
	s2 =	srdreg.scid  }
0x5: {  	s3 =	rddreg [dreg:$0x3];
	s4 =	simm.s32 $0x0;
	s5 =	smul.u32 $0x4E, s0  }
0x6: {  	s16 =	simm.s32 $0x100;
	s17 =	simm.s32 $0x1;
	s7 =	smul.u32 $0x4F, s0  }
0x7: {  	s9 =	sand.u32 $0x1, s2;
	s2 =	rddreg [dreg:$0x4];
	s11 =	smul.u32 $0x13C00, s0  }
0x8: {  	s18 =	simm.s32 $0x0;
	[smem:$0x7FF] =	sst s4;
	s30 =	smul.u32 $0x4F000, s0  }
0x9: {  	s14 =	sshll.u32 s0, $0x6;
	s8 =	smul.u32 $0x13C000, s9;
	p0 =	seq.s32 s9, $0x0  }
0xa: {  	_ =	strace $0x80000047;
	s31 =	ssub.s32 $0x2, s9;
	s7 =	sadd.s32 $0x4E0, s7  }
0xb: {  	s9 =	sor.u32 $0x4E, s9;
	s13 =	sshrl.u32 s31, $0x1;
	s7 =	smov.u32 @p0 s5  }
0xc: {  	s26 =	sadd.s32 s11, s8;
	s5 =	sadd.s32 $0xA200, s6;
	s8 =	sshrl.u32 s30, $0x2  }
0xd: {  	s13 =	ssub.s32 s31, s13;
	s12 =	sshll.u32 s7, $0x4;
	s29 =	sshrl.u32 s26, $0x3  }
0xe: {  	s15 =	sadd.s32 s8, s3;
	s8 =	smax.u32 s13, $0x1;
	s13 =	simm.s32 $0x3  }
0xf: {  	s28 =	sadd.s32 s12, s6;
	s7 =	sadd.s32 s29, s6;
	s6 =	sor.u32 $0x1C03, s14  }
0x10: {  	s10 =	sadd.s32 s12, s10;
	s12 =	sshrl.u32 s15, $0x3;
	s14 =	simm.s32 $0x80  }
0x11: {  	s15 =	simm.s32 $0x2;
	s7 =	sadd.s32 $0xCA00, s7;
	s11 =	sadd.s32 $0x400, s28  }
.LBB2_1:
0x12: {  	[spmem:s12], [sflag:s6] =	dma.local [hbm:s5], $0x2780  }
0x13: {  	_ =	swait.ge [sflag:s13], $0x2780  }
0x14: {  	[sflag:s13] =	ssyncset.done $0x0  }
0x15: {  	[sflag:s13] =	ssyncadd.s32 $0xFFFFD880  }
0x16: {  	[bflag:$0x0] =	sbarrier.arrive $0xFFFF  }
0x17: {  	[tilespmem:s4], [sflag:$0x2] =	stream.linear.gather [hbm4b:s11+s4], $0x80, $0x38;
	[tilespmem:$0x17D00] =	vst v63  }
0x18: {  	_ = 	snop  }
0x19: {  	[tilespmem:s14], [sflag:$0x2] =	stream.linear.gather [hbm4b:s10+s4], $0x80, $0x38;
	[tilespmem:$0x17D00] =	vst v63  }
0x1a: {  	_ =	swait.ge [sflag:s15], $0x80  }
0x1b: {  	[sflag:s15] =	ssyncset.done $0x0  }
0x1c: {  	[sflag:s15] =	ssyncadd.s32 $0xFFFFFF80  }
0x1d: {  	[tilespmem:s16], [sflag:$0x1] =	stream.indirect.gather [hbm4b:s1+s14], $0x80, s4, s14, $0xb8;
	[tilespmem:$0x17D00] =	vst v63  }
0x1e: {  	_ =	swait.ge [sflag:s17], $0x4000  }
0x1f: {  	[sflag:s17] =	ssyncset.done $0x0  }
0x20: {  	[sflag:s17] =	ssyncadd.s32 $0xFFFFC000  }
0x21: {  	p0 =	sne.s32 s9, $0x1;
	_ =	swait.ge [sflag:s15], $0x80  }
.Ltmp0:
0x22: {  	[sflag:s15] =	ssyncset.done $0x0;
	(pc) =	sbr.rel @!p0 .LBB2_3-.Ltmp0, $4  }
0x23: {  	[sflag:s15] =	ssyncadd.s32 $0xFFFFFF80  }
0x24: {  	[spmem:s3] =	stream.indirect.scatter.add.f32 [tilespmem:s16], [sflag:$0x3], $0x80, s14, s14, $0xb8;
	[tilespmem:$0x17D00] =	vst v63  }
0x25: {  	s19 =	sadd.s32 $0xFFFFFFFF, s9;
	_ =	swait.ge [sflag:s13], $0x4000  }
0x26: {  	s20 =	smov.u32 s10;
	s21 =	smov.u32 s11;
	[sflag:s13] =	ssyncset.done $0x0  }
.LBB2_2:
0x27: {  	[sflag:s13] =	ssyncadd.s32 $0xFFFFC000;
	s20 =	sadd.s32 $0x10, s20;
	s21 =	sadd.s32 $0x10, s21  }
0x28: {  	[tilespmem:s4], [sflag:$0x2] =	stream.linear.gather [hbm4b:s21+s4], $0x80, $0x38;
	[tilespmem:$0x17D00] =	vst v63  }
0x29: {  	p0 =	sne.s32 s19, $0x1;
	s19 =	sadd.s32 $0xFFFFFFFF, s19  }
0x2a: {  	[tilespmem:s14], [sflag:$0x2] =	stream.linear.gather [hbm4b:s20+s4], $0x80, $0x38;
	[tilespmem:$0x17D00] =	vst v63  }
0x2b: {  	_ =	swait.ge [sflag:s15], $0x80  }
0x2c: {  	[sflag:s15] =	ssyncset.done $0x0  }
0x2d: {  	[sflag:s15] =	ssyncadd.s32 $0xFFFFFF80  }
0x2e: {  	[tilespmem:s16], [sflag:$0x1] =	stream.indirect.gather [hbm4b:s1+s14], $0x80, s4, s14, $0xb8;
	[tilespmem:$0x17D00] =	vst v63  }
0x2f: {  	_ =	swait.ge [sflag:s17], $0x4000  }
0x30: {  	[sflag:s17] =	ssyncset.done $0x0  }
0x31: {  	[sflag:s17] =	ssyncadd.s32 $0xFFFFC000  }
0x32: {  	_ =	swait.ge [sflag:s15], $0x80  }
.Ltmp1:
0x33: {  	[sflag:s15] =	ssyncset.done $0x0;
	(pc) =	sbr.rel @p0 .LBB2_2-.Ltmp1, $4  }
0x34: {  	[sflag:s15] =	ssyncadd.s32 $0xFFFFFF80  }
0x35: {  	[spmem:s3] =	stream.indirect.scatter.add.f32 [tilespmem:s16], [sflag:$0x3], $0x80, s14, s14, $0xb8;
	[tilespmem:$0x17D00] =	vst v63  }
0x36: {  	_ =	swait.ge [sflag:s13], $0x4000  }
0x37: {  	[sflag:s13] =	ssyncset.done $0x0  }
.LBB2_3:
0x38: {  	s18 =	sadd.s32 $0x1, s18  }
0x39: {  	[sflag:s13] =	ssyncadd.s32 $0xFFFFC000;
	p0 =	sne.s32 s18, s8  }
.Ltmp2:
0x3a: {  	[bflag:$0x0] =	sbarrier.arrive $0xFFFF;
	(pc) =	sbr.rel @p0 .LBB2_1-.Ltmp2, $4  }
0x3b: {  	[hbm:s7], [sflag:s6] =	dma.local [spmem:s12], $0x2780  }
0x3c: {  	_ =	swait.ge [sflag:s13], $0x2780  }
0x3d: {  	[sflag:s13] =	ssyncset.done $0x0  }
0x3e: {  	[sflag:s13] =	ssyncadd.s32 $0xFFFFD880  }
0x3f: {  	_ =	sfence.sel $0x180000  }
0x40: {  	[bflag:$0x0] =	sbarrier.arrive $0xFFFF  }
0x41: {  	p0 =	sne.s32 s0, $0x0;
	_ =	strace $0x90000047  }
0x42: {  	s0 =	sadd.s32 @!p0 $0x100000, s2;
	[bflag:$0x2] =	sbarrier.arrive $0xFFFF  }
0x43: {  	[sflag:s0] =	ssyncadd.tile.s32 @!p0 $0x1;
	_ =	shalt  }
.Lfunc_end2:
_tile_overlayer_lowered:
.L_overlay_start_2:
0x44: {  	(tag) =	ssettag $0x2  }
0x45: {  	s0 =	rddreg [dreg:$0x0];
	s2 =	stileid.u32  }
0x46: {  	s1 =	rddreg [dreg:$0x1];
	p0 =	sne.s32 s2, $0x0  }
0x47: {  	s3 =	rddreg [dreg:$0x2];
	[bflag:$0x3] =	sbarrier.arrive $0xFFFF;
	s2 =	simm.s32 @!p0 $0x1C03  }
0x48: {  	[timem:s3], [sflag:s2] =	dma.local @!p0 [hbm:s0], s1  }
0x49: {  	s0 =	simm.s32 @!p0 $0x3  }
0x4a: {  	_ =	swait.ge @!p0 [sflag:s0], s1  }
0x4b: {  	s1 =	ssub.s32 @!p0 $0x0, s1;
	[sflag:s0] =	ssyncset.done @!p0 $0x0  }
0x4c: {  	[sflag:s0] =	ssyncadd.s32 @!p0 s1  }
0x4d: {  	[bflag:$0x3] =	sbarrier.arrive $0xFFFF  }
0x4e: {  	_ =	shalt  }

</sc_bundles>
